<compile_context>
chip_gen: v7x
topology: tpu7x:2x2x1
jax: 0.10.2.dev20260603
libtpu: 0.0.44.dev20260713+nightly
codegen_flags: <defaults>
</compile_context>

<pallas_src>
import functools

import jax
import jax.numpy as jnp
from jax import lax
from jax.experimental import pallas as pl
from jax.experimental.pallas import tpu as pltpu
from jax.experimental.pallas import tpu_sc as plsc

N = 10000
E = 320000
D = 128
H = 128
C = 10
G = 64

NC = 2
NS = 16
NW = NC * NS
EPW = E // NW
CH = 125
NCHUNK = EPW // CH
SCH = 8
NPAD = 10240
RT = NPAD // NS

@functools.lru_cache(maxsize=1)
def _vector_mesh():
    return plsc.VectorSubcoreMesh(
        core_axis_name="c", subcore_axis_name="s",
        num_cores=NC, num_subcores=NS)



@jax.jit
def _sc_degree(e3):

    @functools.partial(
        pl.kernel,
        out_type=jax.ShapeDtypeStruct((NC, N), jnp.float32),
        mesh=_vector_mesh(),
        scratch_types=[
            pltpu.VMEM((NCHUNK, CH), jnp.int32),
            pltpu.VMEM((128,), jnp.float32),
            pltpu.VMEM((N,), jnp.float32),
            pltpu.VMEM_SHARED((N,), jnp.float32),
        ],
    )
    def k(e3_hbm, out_hbm, didx, ones, zbuf, acc):
        c = lax.axis_index("c")
        s = lax.axis_index("s")
        wid = c * NS + s

        one16 = jnp.ones((16,), jnp.float32)
        zero16 = jnp.zeros((16,), jnp.float32)

        @pl.loop(0, 128, step=16)
        def _(i):
            ones[pl.ds(i, 16)] = one16

        @pl.when(s == 0)
        def _():
            @pl.loop(0, N, step=16)
            def _(i):
                zbuf[pl.ds(i, 16)] = zero16
            pltpu.sync_copy(zbuf, acc)

        plsc.subcore_barrier()

        pltpu.sync_copy(e3_hbm.at[1, wid], didx)

        @pl.loop(0, NCHUNK)
        def _(j):
            pltpu.sync_copy(ones.at[pl.ds(0, CH)], acc.at[didx.at[j]], add=True)

        plsc.subcore_barrier()

        @pl.when(s == 0)
        def _():
            pltpu.sync_copy(acc, out_hbm.at[c])

    return k(e3)


@jax.jit
def _sc_edge(hs, e3):

    @functools.partial(
        pl.kernel,
        out_type=jax.ShapeDtypeStruct((NC, N, H), jnp.float32),
        mesh=_vector_mesh(),
        scratch_types=[
            pltpu.VMEM((2, SCH, CH), jnp.int32),
            pltpu.VMEM((2, SCH, CH), jnp.int32),
            pltpu.VMEM((128, H), jnp.float32),
            pltpu.VMEM((128, H), jnp.float32),
            pltpu.VMEM_SHARED((NPAD, H), jnp.float32),
            pltpu.SemaphoreType.DMA,
            pltpu.SemaphoreType.DMA,
            pltpu.SemaphoreType.DMA,
            pltpu.SemaphoreType.DMA,
            pltpu.SemaphoreType.DMA,
        ],
    )
    def k(hs_hbm, e3_hbm, out_hbm, sidx, didx, bufa, bufb, acc,
          sga, sgb, ssa, ssb, six):
        c = lax.axis_index("c")
        s = lax.axis_index("s")
        wid = c * NS + s
        r0 = s * RT
        NG = NCHUNK // SCH

        def idx_load(g, slot):
            return (pltpu.make_async_copy(
                        e3_hbm.at[0, wid, pl.ds(g * SCH, SCH)],
                        sidx.at[slot], six),
                    pltpu.make_async_copy(
                        e3_hbm.at[1, wid, pl.ds(g * SCH, SCH)],
                        didx.at[slot], six))

        pa0, pb0 = idx_load(0, 0)
        pa0.start()
        pb0.start()

        ba = bufa.at[pl.ds(0, CH)]
        bb = bufb.at[pl.ds(0, CH)]
        bufs = (ba, bb)
        gsem = (sga, sgb)
        ssem = (ssa, ssb)

        GH = 64

        def gstart(slot, j, bufref, sem):
            pltpu.async_copy(hs_hbm.at[sidx.at[slot, j, pl.ds(0, GH)]],
                             bufref.at[pl.ds(0, GH)], sem)
            pltpu.async_copy(hs_hbm.at[sidx.at[slot, j, pl.ds(GH, CH - GH)]],
                             bufref.at[pl.ds(GH, CH - GH)], sem)

        def gwait(slot, j, bufref, sem):
            pltpu.make_async_copy(
                hs_hbm.at[sidx.at[slot, j, pl.ds(0, GH)]],
                bufref.at[pl.ds(0, GH)], sem).wait()
            pltpu.make_async_copy(
                hs_hbm.at[sidx.at[slot, j, pl.ds(GH, CH - GH)]],
                bufref.at[pl.ds(GH, CH - GH)], sem).wait()

        rawbufs = (bufa, bufb)

        pa0.wait()
        pb0.wait()
        gstart(0, 0, bufb, sgb)

        zero16 = jnp.zeros((1, 16), jnp.float32)

        @pl.loop(0, 128)
        def _(r):
            for q in range(0, H, 16):
                bufa[pl.ds(r, 1), pl.ds(q, 16)] = zero16

        @pl.loop(0, RT, step=128)
        def _(rr):
            pltpu.sync_copy(bufa, acc.at[pl.ds(r0 + rr, 128)])

        gstart(0, 1, bufa, sga)

        plsc.subcore_barrier()

        @pl.loop(0, NG, step=2)
        def _(g):
            for go in range(2):
                gc = g + go
                slot = go
                nslot = 1 - go

                for j in range(SCH):
                    b = (j + 1) % 2
                    nb = 1 - b
                    if j == 0:
                        @pl.when(gc > 0)
                        def _():
                            pltpu.make_async_copy(
                                bufs[nb], acc.at[didx.at[nslot, SCH - 1]],
                                ssem[nb]).wait()
                        @pl.when(gc + 1 < NG)
                        def _():
                            fa, fb = idx_load(gc + 1, nslot)
                            fa.start()
                            fb.start()
                    else:
                        pltpu.make_async_copy(
                            bufs[nb], acc.at[didx.at[slot, j - 1]],
                            ssem[nb]).wait()
                    if j == 0:
                        @pl.when(gc > 0)
                        def _():
                            gstart(slot, 1, rawbufs[nb], gsem[nb])
                    elif j < SCH - 1:
                        gstart(slot, j + 1, rawbufs[nb], gsem[nb])
                    else:
                        @pl.when(gc + 1 < NG)
                        def _():
                            wa, wb = idx_load(gc + 1, nslot)
                            wa.wait()
                            wb.wait()
                            gstart(nslot, 0, rawbufs[nb], gsem[nb])
                    gwait(slot, j, rawbufs[b], gsem[b])
                    pltpu.async_copy(bufs[b], acc.at[didx.at[slot, j]],
                                     ssem[b], add=True)

        pltpu.make_async_copy(bufs[0], acc.at[didx.at[1, SCH - 1]],
                              ssem[0]).wait()

        plsc.subcore_barrier()

        @pl.when(s < NS - 1)
        def _():
            pltpu.sync_copy(acc.at[pl.ds(r0, RT)],
                            out_hbm.at[c, pl.ds(r0, RT)])

        @pl.when(s == NS - 1)
        def _():
            last = N - (NS - 1) * RT
            pltpu.sync_copy(acc.at[pl.ds((NS - 1) * RT, last)],
                            out_hbm.at[c, pl.ds((NS - 1) * RT, last)])

    return k(hs, e3)



BM = 2000


@jax.jit
def _tc_mm(x, w):

    def body(x_ref, w_ref, o_ref):
        o_ref[...] = jnp.dot(x_ref[...], w_ref[...],
                             preferred_element_type=jnp.float32)

    return pl.pallas_call(
        body,
        grid=(N // BM,),
        in_specs=[
            pl.BlockSpec((BM, D), lambda i: (i, 0)),
            pl.BlockSpec((D, H), lambda i: (0, 0)),
        ],
        out_specs=pl.BlockSpec((BM, H), lambda i: (i, 0)),
        out_shape=jax.ShapeDtypeStruct((N, H), jnp.float32),
    )(x, w)


@jax.jit
def _tc_scale(h1, d0, d1):

    def body(h_ref, d0_ref, d1_ref, hs_ref, dinv_ref):
        dinv = lax.rsqrt(d0_ref[...] + d1_ref[...] + 1.0)
        hs_ref[...] = h_ref[...] * dinv
        dinv_ref[...] = dinv

    return pl.pallas_call(
        body,
        grid=(N // BM,),
        in_specs=[
            pl.BlockSpec((BM, H), lambda i: (i, 0)),
            pl.BlockSpec((BM, 1), lambda i: (i, 0)),
            pl.BlockSpec((BM, 1), lambda i: (i, 0)),
        ],
        out_specs=[
            pl.BlockSpec((BM, H), lambda i: (i, 0)),
            pl.BlockSpec((BM, 1), lambda i: (i, 0)),
        ],
        out_shape=[
            jax.ShapeDtypeStruct((N, H), jnp.float32),
            jax.ShapeDtypeStruct((N, 1), jnp.float32),
        ],
    )(h1, d0, d1)


@jax.jit
def _tc_fuse(parts, hs_prev, dinv, b, w):

    def body(p0_ref, p1_ref, hs_ref, dinv_ref, b_ref, w_ref, o_ref):
        dinv = dinv_ref[...]
        act = dinv * (p0_ref[0] + p1_ref[0] + hs_ref[...]) + b_ref[...]
        act = jnp.maximum(act, 0.0)
        o_ref[...] = jnp.dot(act, w_ref[...],
                             preferred_element_type=jnp.float32) * dinv

    return pl.pallas_call(
        body,
        grid=(N // BM,),
        in_specs=[
            pl.BlockSpec((1, BM, H), lambda i: (0, i, 0)),
            pl.BlockSpec((1, BM, H), lambda i: (1, i, 0)),
            pl.BlockSpec((BM, H), lambda i: (i, 0)),
            pl.BlockSpec((BM, 1), lambda i: (i, 0)),
            pl.BlockSpec((1, H), lambda i: (0, 0)),
            pl.BlockSpec((H, H), lambda i: (0, 0)),
        ],
        out_specs=pl.BlockSpec((BM, H), lambda i: (i, 0)),
        out_shape=jax.ShapeDtypeStruct((N, H), jnp.float32),
    )(parts, parts, hs_prev, dinv, b, w)


@jax.jit
def _tc_final(parts, hs3, dinv, b3, batch_row, wl, bl):

    nblk = N // BM

    def body(p0_ref, p1_ref, hs_ref, dinv_ref, b_ref, batch_ref, wl_ref,
             bl_ref, o_ref, psum, csum):
        i = pl.program_id(0)

        @pl.when(i == 0)
        def _():
            psum[...] = jnp.zeros_like(psum)
            csum[...] = jnp.zeros_like(csum)

        h3 = dinv_ref[...] * (p0_ref[0] + p1_ref[0] + hs_ref[...]) \
            + b_ref[...]
        seg = lax.broadcasted_iota(jnp.int32, (G, BM), 0)
        m = (batch_ref[0] == seg).astype(jnp.float32)
        dn = (((1,), (0,)), ((), ()))
        psum[...] += lax.dot_general(m, h3, dn,
                                     preferred_element_type=jnp.float32)
        csum[...] += lax.dot_general(m, jnp.ones((BM, 1), jnp.float32), dn,
                                     preferred_element_type=jnp.float32)

        @pl.when(i == nblk - 1)
        def _():
            pooled = psum[...] / jnp.maximum(csum[...], 1.0)
            o_ref[...] = jnp.dot(pooled, wl_ref[...],
                                 preferred_element_type=jnp.float32) \
                + bl_ref[...]

    return pl.pallas_call(
        body,
        grid=(nblk,),
        in_specs=[
            pl.BlockSpec((1, BM, H), lambda i: (0, i, 0)),
            pl.BlockSpec((1, BM, H), lambda i: (1, i, 0)),
            pl.BlockSpec((BM, H), lambda i: (i, 0)),
            pl.BlockSpec((BM, 1), lambda i: (i, 0)),
            pl.BlockSpec((1, H), lambda i: (0, 0)),
            pl.BlockSpec((1, 1, BM), lambda i: (i, 0, 0)),
            pl.BlockSpec((H, C), lambda i: (0, 0)),
            pl.BlockSpec((1, C), lambda i: (0, 0)),
        ],
        out_specs=pl.BlockSpec((G, C), lambda i: (0, 0)),
        out_shape=jax.ShapeDtypeStruct((G, C), jnp.float32),
        scratch_shapes=[
            pltpu.VMEM((G, H), jnp.float32),
            pltpu.VMEM((G, 1), jnp.float32),
        ],
    )(parts, parts, hs3, dinv, b3, batch_row, wl, bl)



def kernel(x, edge_index, batch, W1, b1, W2, b2, W3, b3, Wl, bl):
    e3 = edge_index.reshape(2, NW, NCHUNK, CH)

    degp = _sc_degree(e3)
    h1 = _tc_mm(x, W1)
    d0 = degp[0].reshape(N, 1)
    d1 = degp[1].reshape(N, 1)
    hs1, dinv = _tc_scale(h1, d0, d1)

    p = _sc_edge(hs1, e3)
    hs2 = _tc_fuse(p, hs1, dinv, b1.reshape(1, H), W2)
    p = _sc_edge(hs2, e3)
    hs3 = _tc_fuse(p, hs2, dinv, b2.reshape(1, H), W3)
    p = _sc_edge(hs3, e3)

    return _tc_final(p, hs3, dinv, b3.reshape(1, H),
                     batch.reshape(N // BM, 1, BM), Wl, bl.reshape(1, C))

# --- scband reference (transcript-rebuilt; emitter-appended) ---
"""Pipeline reference for scband-gcn-61108794688062 (READ-ONLY COPY).

The authoritative reference and input builder live on the scoring server;
editing this copy changes nothing except your own understanding.
"""

import jax, jax.numpy as jnp
import numpy as np

N = 10000
E = 320000
D = 128
H = 128
C = 10
G = 64


def setup_inputs(seed: int = 0) -> dict:
    key = jax.random.key(seed)
    ks = jax.random.split(key, 12)
    x = jax.random.normal(ks[0], (N, D), dtype=jnp.float32)
    edge_index = jax.random.randint(ks[1], (2, E), 0, N, dtype=jnp.int32)
    batch = jnp.sort(jax.random.randint(ks[2], (N,), 0, G, dtype=jnp.int32))
    W1 = jax.random.normal(ks[3], (D, H), dtype=jnp.float32) * (1.0 / np.sqrt(D))
    b1 = jnp.zeros((H,), dtype=jnp.float32)
    W2 = jax.random.normal(ks[4], (H, H), dtype=jnp.float32) * (1.0 / np.sqrt(H))
    b2 = jnp.zeros((H,), dtype=jnp.float32)
    W3 = jax.random.normal(ks[5], (H, H), dtype=jnp.float32) * (1.0 / np.sqrt(H))
    b3 = jnp.zeros((H,), dtype=jnp.float32)
    Wl = jax.random.normal(ks[6], (H, C), dtype=jnp.float32) * (1.0 / np.sqrt(H))
    bl = jnp.zeros((C,), dtype=jnp.float32)
    return {"x": x, "edge_index": edge_index, "batch": batch,
            "W1": W1, "b1": b1, "W2": W2, "b2": b2, "W3": W3, "b3": b3,
            "Wl": Wl, "bl": bl}


def _gcn_conv(x, src, dst, norm, W, b):
    h = x @ W
    msg = h[src] * norm[:, None]
    out = jnp.zeros_like(h).at[dst].add(msg)
    return out + b


def reference(x, edge_index, batch, W1, b1, W2, b2, W3, b3, Wl, bl):
    # add self loops (GCNConv default)
    loop = jnp.arange(N, dtype=edge_index.dtype)
    src = jnp.concatenate([edge_index[0], loop])
    dst = jnp.concatenate([edge_index[1], loop])
    # symmetric normalization D^{-1/2} (A+I) D^{-1/2}
    deg = jnp.zeros((N,), dtype=jnp.float32).at[dst].add(1.0)
    dinv = jax.lax.rsqrt(deg)
    norm = dinv[src] * dinv[dst]

    h = _gcn_conv(x, src, dst, norm, W1, b1)
    h = jax.nn.relu(h)
    h = _gcn_conv(h, src, dst, norm, W2, b2)
    h = jax.nn.relu(h)
    h = _gcn_conv(h, src, dst, norm, W3, b3)

    # global mean pool over graphs
    sums = jax.ops.segment_sum(h, batch, num_segments=G)
    counts = jax.ops.segment_sum(jnp.ones((N,), dtype=jnp.float32), batch, num_segments=G)
    pooled = sums / jnp.maximum(counts, 1.0)[:, None]

    # dropout p=0.5 is identity in eval mode
    out = pooled @ Wl + bl
    return out

if __name__ == "__main__":
    import jax
    _d = setup_inputs()
    print(jax.jit(kernel)(*tuple(_d.values())))

</pallas_src>

<mosaic_0001>
#map = affine_map<(d0, d1) -> (0, 0, 0, 0)>
#map1 = affine_map<(d0, d1) -> (0, 0)>
module attributes {stable_mosaic.version = 14 : i64} {
  func.func @k(%arg0: i32, %arg1: i32, %arg2: memref<2x32x80x125xi32, #tpu.memory_space<hbm>>, %arg3: memref<2x10000xf32, #tpu.memory_space<hbm>>, %arg4: memref<80x125xi32, #tpu.memory_space<vmem>>, %arg5: memref<128xf32, #tpu.memory_space<vmem>>, %arg6: memref<10000xf32, #tpu.memory_space<vmem>>, %arg7: memref<10000xf32, #tpu.memory_space<vmem_shared>>) attributes {dimension_semantics = [#tpu.dimension_semantics<core_parallel>, #tpu.dimension_semantics<subcore_parallel>], iteration_bounds = array<i64: 2, 16>, scalar_prefetch = 0 : i64, scratch_operands = 4 : i64, tpu.core_type = #tpu.core_type<sc_vector_subcore>, window_params = [{transform_indices = #map}, {transform_indices = #map1}]} {
    %mul3A = arith.constant 16 : i32
    %mul3A_0 = arith.muli %arg0, %mul3A : i32
    %add3A = arith.addi %mul3A_0, %arg1 : i32
    %broadcast_in_dim3A = arith.constant 1.000000e+00 : f32
    %broadcast_in_dim3A_1 = vector.broadcast %broadcast_in_dim3A : f32 to vector<16xf32>
    %broadcast_in_dim3A_2 = arith.constant 0.000000e+00 : f32
    %broadcast_in_dim3A_3 = vector.broadcast %broadcast_in_dim3A_2 : f32 to vector<16xf32>
    %scan3A = arith.constant 0 : i32
    %scan3A_4 = arith.constant 8 : i32
    %scan3A_5 = arith.addi %scan3A, %scan3A_4 : i32
    %scan3A_6 = arith.constant 1 : i32
    scf.for %scan3A_21 = %scan3A to %scan3A_5 step %scan3A_6  : i32 {
      %mul3A_22 = arith.constant 16 : i32
      %mul3A_23 = arith.muli %scan3A_21, %mul3A_22 : i32
      %add3A_24 = arith.constant 0 : i32
      %add3A_25 = arith.addi %add3A_24, %mul3A_23 : i32
      %swap3A = arith.index_cast %add3A_25 : i32 to index
      %swap3A_26 = tpu.vector_load %arg5[%swap3A] {strides = array<i32>} : memref<128xf32, #tpu.memory_space<vmem>>, vector<16xf32>,
      %swap3A_27 = vector.shape_cast %swap3A_26 : vector<16xf32> to vector<16xf32>
      %swap3A_28 = vector.shape_cast %broadcast_in_dim3A_1 : vector<16xf32> to vector<16xf32>
      tpu.vector_store %arg5[%swap3A], %swap3A_28 {strides = array<i32>} : memref<128xf32, #tpu.memory_space<vmem>>, vector<16xf32>,
    }
    %scan3A_7 = arith.constant 8 : i32
    %eq3A = arith.constant 0 : i32
    %eq3A_8 = arith.cmpi eq, %arg1, %eq3A : i32
    %convert_element_type3A = arith.extui %eq3A_8 : i1 to i32
    %cond3A = arith.constant 0 : i32
    %cond3A_9 = arith.cmpi ne, %convert_element_type3A, %cond3A : i32
    scf.if %cond3A_9 {
      %scan3A_21 = arith.constant 0 : i32
      %scan3A_22 = arith.constant 625 : i32
      %scan3A_23 = arith.addi %scan3A_21, %scan3A_22 : i32
      %scan3A_24 = arith.constant 1 : i32
      scf.for %scan3A_26 = %scan3A_21 to %scan3A_23 step %scan3A_24  : i32 {
        %mul3A_27 = arith.constant 16 : i32
        %mul3A_28 = arith.muli %scan3A_26, %mul3A_27 : i32
        %add3A_29 = arith.constant 0 : i32
        %add3A_30 = arith.addi %add3A_29, %mul3A_28 : i32
        %swap3A = arith.index_cast %add3A_30 : i32 to index
        %swap3A_31 = tpu.vector_load %arg6[%swap3A] {strides = array<i32>} : memref<10000xf32, #tpu.memory_space<vmem>>, vector<16xf32>,
        %swap3A_32 = vector.shape_cast %swap3A_31 : vector<16xf32> to vector<16xf32>
        %swap3A_33 = vector.shape_cast %broadcast_in_dim3A_3 : vector<16xf32> to vector<16xf32>
        tpu.vector_store %arg6[%swap3A], %swap3A_33 {strides = array<i32>} : memref<10000xf32, #tpu.memory_space<vmem>>, vector<16xf32>,
      }
      %scan3A_25 = arith.constant 625 : i32
      "tpu.region"() ({
        %run_scoped3A_26 = tpu.sem_alloc : memref<!tpu.dma_semaphore, #tpu.memory_space<semaphore_mem>>
        tpu.enqueue_dma source(%arg6 : memref<10000xf32, #tpu.memory_space<vmem>>) target(%arg7 : memref<10000xf32, #tpu.memory_space<vmem_shared>>) target_semaphore(%run_scoped3A_26 : memref<!tpu.dma_semaphore, #tpu.memory_space<semaphore_mem>>)
        tpu.wait_dma2 semaphore(%run_scoped3A_26 : memref<!tpu.dma_semaphore, #tpu.memory_space<semaphore_mem>>) src(%arg6 : memref<10000xf32, #tpu.memory_space<vmem>>) dst(%arg7 : memref<10000xf32, #tpu.memory_space<vmem_shared>>)
        tpu.yield
      }) : () -> ()
    } else {
    }
    %barrier3A = arith.constant 0 : index
    tpu.barrier barrier_id(%barrier3A)
    %run_scoped3A = arith.constant 1 : i32
    "tpu.region"() ({
      %run_scoped3A_21 = tpu.sem_alloc : memref<!tpu.dma_semaphore, #tpu.memory_space<semaphore_mem>>
      %dma_start3A = arith.constant 0 : i32
      %dma_start3A_22 = arith.constant 0 : i32
      %dma_start3A_23 = tpu.memref_slice %arg2[%run_scoped3A, %add3A, %dma_start3A, %dma_start3A_22] : memref<2x32x80x125xi32, #tpu.memory_space<hbm>> -> memref<1x1x80x125xi32, #tpu.memory_space<hbm>>
      %dma_start3A_24 = tpu.memref_squeeze %dma_start3A_23 : memref<1x1x80x125xi32, #tpu.memory_space<hbm>> -> memref<80x125xi32, #tpu.memory_space<hbm>>
      %dma_start3A_25 = arith.constant 0 : i32
      %dma_start3A_26 = arith.constant 0 : i32
      %dma_start3A_27 = tpu.memref_slice %arg2[%run_scoped3A, %add3A, %dma_start3A_25, %dma_start3A_26] : memref<2x32x80x125xi32, #tpu.memory_space<hbm>> -> memref<1x1x80x125xi32, #tpu.memory_space<hbm>>
      %dma_start3A_28 = tpu.memref_squeeze %dma_start3A_27 : memref<1x1x80x125xi32, #tpu.memory_space<hbm>> -> memref<80x125xi32, #tpu.memory_space<hbm>>
      tpu.enqueue_dma source(%dma_start3A_28 : memref<80x125xi32, #tpu.memory_space<hbm>>) target(%arg4 : memref<80x125xi32, #tpu.memory_space<vmem>>) target_semaphore(%run_scoped3A_21 : memref<!tpu.dma_semaphore, #tpu.memory_space<semaphore_mem>>)
      %dma_wait3A = arith.constant 0 : i32
      %dma_wait3A_29 = arith.constant 0 : i32
      %dma_wait3A_30 = tpu.memref_slice %arg2[%run_scoped3A, %add3A, %dma_wait3A, %dma_wait3A_29] : memref<2x32x80x125xi32, #tpu.memory_space<hbm>> -> memref<1x1x80x125xi32, #tpu.memory_space<hbm>>
      %dma_wait3A_31 = tpu.memref_squeeze %dma_wait3A_30 : memref<1x1x80x125xi32, #tpu.memory_space<hbm>> -> memref<80x125xi32, #tpu.memory_space<hbm>>
      %dma_wait3A_32 = arith.constant 0 : i32
      %dma_wait3A_33 = arith.constant 0 : i32
      %dma_wait3A_34 = tpu.memref_slice %arg2[%run_scoped3A, %add3A, %dma_wait3A_32, %dma_wait3A_33] : memref<2x32x80x125xi32, #tpu.memory_space<hbm>> -> memref<1x1x80x125xi32, #tpu.memory_space<hbm>>
      %dma_wait3A_35 = tpu.memref_squeeze %dma_wait3A_34 : memref<1x1x80x125xi32, #tpu.memory_space<hbm>> -> memref<80x125xi32, #tpu.memory_space<hbm>>
      tpu.wait_dma2 semaphore(%run_scoped3A_21 : memref<!tpu.dma_semaphore, #tpu.memory_space<semaphore_mem>>) src(%dma_wait3A_35 : memref<80x125xi32, #tpu.memory_space<hbm>>) dst(%arg4 : memref<80x125xi32, #tpu.memory_space<vmem>>)
      tpu.yield
    }) : () -> ()
    %scan3A_10 = arith.constant 0 : i32
    %scan3A_11 = arith.constant 80 : i32
    %scan3A_12 = arith.addi %scan3A_10, %scan3A_11 : i32
    %scan3A_13 = arith.constant 1 : i32
    scf.for %scan3A_21 = %scan3A_10 to %scan3A_12 step %scan3A_13  : i32 {
      %mul3A_22 = arith.constant 1 : i32
      %mul3A_23 = arith.muli %scan3A_21, %mul3A_22 : i32
      %add3A_24 = arith.constant 0 : i32
      %add3A_25 = arith.addi %add3A_24, %mul3A_23 : i32
      "tpu.region"() ({
        %run_scoped3A_26 = tpu.sem_alloc : memref<!tpu.dma_semaphore, #tpu.memory_space<semaphore_mem>>
        %dma_start3A = arith.constant 0 : i32
        %dma_start3A_27 = tpu.memref_slice %arg5[%dma_start3A] : memref<128xf32, #tpu.memory_space<vmem>> -> memref<125xf32, #tpu.memory_space<vmem>>
        %dma_start3A_28 = arith.constant 0 : i32
        %dma_start3A_29 = tpu.memref_slice %arg4[%add3A_25, %dma_start3A_28] : memref<80x125xi32, #tpu.memory_space<vmem>> -> memref<1x125xi32, #tpu.memory_space<vmem>>
        %dma_start3A_30 = tpu.memref_squeeze %dma_start3A_29 : memref<1x125xi32, #tpu.memory_space<vmem>> -> memref<125xi32, #tpu.memory_space<vmem>>
        %dma_start3A_31 = arith.constant 0 : i32
        %dma_start3A_32 = tpu.memref_slice %arg7[%dma_start3A_31] : memref<10000xf32, #tpu.memory_space<vmem_shared>> -> memref<10000xf32, #tpu.memory_space<vmem_shared>>
        tpu.enqueue_indirect_dma source(%dma_start3A_27 : memref<125xf32, #tpu.memory_space<vmem>>) target(%dma_start3A_32 : memref<10000xf32, #tpu.memory_space<vmem_shared>>) offsets(%dma_start3A_30 : memref<125xi32, #tpu.memory_space<vmem>>) semaphore(%run_scoped3A_26 : memref<!tpu.dma_semaphore, #tpu.memory_space<semaphore_mem>>) {add = true}
        %dma_wait3A = arith.constant 0 : i32
        %dma_wait3A_33 = tpu.memref_slice %arg5[%dma_wait3A] : memref<128xf32, #tpu.memory_space<vmem>> -> memref<125xf32, #tpu.memory_space<vmem>>
        %dma_wait3A_34 = arith.constant 0 : i32
        %dma_wait3A_35 = tpu.memref_slice %arg4[%add3A_25, %dma_wait3A_34] : memref<80x125xi32, #tpu.memory_space<vmem>> -> memref<1x125xi32, #tpu.memory_space<vmem>>
        %dma_wait3A_36 = tpu.memref_squeeze %dma_wait3A_35 : memref<1x125xi32, #tpu.memory_space<vmem>> -> memref<125xi32, #tpu.memory_space<vmem>>
        %dma_wait3A_37 = arith.constant 0 : i32
        %dma_wait3A_38 = tpu.memref_slice %arg7[%dma_wait3A_37] : memref<10000xf32, #tpu.memory_space<vmem_shared>> -> memref<10000xf32, #tpu.memory_space<vmem_shared>>
        tpu.wait_indirect_dma semaphore(%run_scoped3A_26 : memref<!tpu.dma_semaphore, #tpu.memory_space<semaphore_mem>>) src(%dma_wait3A_33 : memref<125xf32, #tpu.memory_space<vmem>>) dst(%dma_wait3A_38 : memref<10000xf32, #tpu.memory_space<vmem_shared>>)
        tpu.yield
      }) : () -> ()
    }
    %scan3A_14 = arith.constant 80 : i32
    %barrier3A_15 = arith.constant 0 : index
    tpu.barrier barrier_id(%barrier3A_15)
    %eq3A_16 = arith.constant 0 : i32
    %eq3A_17 = arith.cmpi eq, %arg1, %eq3A_16 : i32
    %convert_element_type3A_18 = arith.extui %eq3A_17 : i1 to i32
    %cond3A_19 = arith.constant 0 : i32
    %cond3A_20 = arith.cmpi ne, %convert_element_type3A_18, %cond3A_19 : i32
    scf.if %cond3A_20 {
      "tpu.region"() ({
        %run_scoped3A_21 = tpu.sem_alloc : memref<!tpu.dma_semaphore, #tpu.memory_space<semaphore_mem>>
        %dma_start3A = arith.constant 0 : i32
        %dma_start3A_22 = tpu.memref_slice %arg3[%arg0, %dma_start3A] : memref<2x10000xf32, #tpu.memory_space<hbm>> -> memref<1x10000xf32, #tpu.memory_space<hbm>>
        %dma_start3A_23 = tpu.memref_squeeze %dma_start3A_22 : memref<1x10000xf32, #tpu.memory_space<hbm>> -> memref<10000xf32, #tpu.memory_space<hbm>>
        tpu.enqueue_dma source(%arg7 : memref<10000xf32, #tpu.memory_space<vmem_shared>>) target(%dma_start3A_23 : memref<10000xf32, #tpu.memory_space<hbm>>) target_semaphore(%run_scoped3A_21 : memref<!tpu.dma_semaphore, #tpu.memory_space<semaphore_mem>>)
        %dma_wait3A = arith.constant 0 : i32
        %dma_wait3A_24 = tpu.memref_slice %arg3[%arg0, %dma_wait3A] : memref<2x10000xf32, #tpu.memory_space<hbm>> -> memref<1x10000xf32, #tpu.memory_space<hbm>>
        %dma_wait3A_25 = tpu.memref_squeeze %dma_wait3A_24 : memref<1x10000xf32, #tpu.memory_space<hbm>> -> memref<10000xf32, #tpu.memory_space<hbm>>
        tpu.wait_dma2 semaphore(%run_scoped3A_21 : memref<!tpu.dma_semaphore, #tpu.memory_space<semaphore_mem>>) src(%arg7 : memref<10000xf32, #tpu.memory_space<vmem_shared>>) dst(%dma_wait3A_25 : memref<10000xf32, #tpu.memory_space<hbm>>)
        tpu.yield
      }) : () -> ()
    } else {
    }
    return
  }
}

</mosaic_0001>

<sc_bundles>
// kernel: _sc_degree.3.cloned.1.call-start
scs
__scs_entry_jumppad:
0x0: {  	(pc) =	sbr.rel $0x88, $3  }
0x1: {  	(tag) =	ssettag $0x0;
	lr =	simm.s32 $0x1  }
0x2: {  	[smem:$0x3FA0] =	sst lr;
	_ =	strace $0xD0000000  }
0x3: {  	_ = 	snop  }
0x4: {  	_ = 	snop  }
0x5: {  	_ = 	snop  }
0x6: {  	_ = 	snop  }
0x7: {  	_ = 	snop  }
__scs_overlays_trampoline_lowered:
0x8: {  	[smem:$0x3FAF] =	sst s0  }
0x9: {  	[smem:$0x3FB0] =	sst s1  }
0xa: {  	[smem:$0x3FB1] =	sst s2  }
0xb: {  	[smem:$0x3FB2] =	sst s3  }
0xc: {  	[smem:$0x3FB3] =	sst s4  }
0xd: {  	[smem:$0x3FB4] =	sst s5  }
0xe: {  	[smem:$0x3FB5] =	sst s6  }
0xf: {  	[smem:$0x3FB6] =	sst s7  }
0x10: {  	[smem:$0x3FB7] =	sst s8  }
0x11: {  	[smem:$0x3FB8] =	sst s9;
	s0 =	simm.s32 @!p0 $0x0  }
0x12: {  	s1 =	sld [smem:$0x3F9E];
	s0 =	simm.s32 @p0 $0x1  }
0x13: {  	[smem:$0x3FB9] =	sst s0;
	s0 =	simm.s32 @!p1 $0x0  }
0x14: {  	s2 =	sld [smem:$0x3F9D];
	s0 =	simm.s32 @p1 $0x1  }
0x15: {  	[smem:$0x3FBA] =	sst s0;
	s0 =	simm.s32 @!p2 $0x0  }
0x16: {  	s3 =	sld [smem:$0x3FDB];
	s0 =	simm.s32 @p2 $0x1  }
0x17: {  	s4 =	simm.s32 $0x1BF5;
	[smem:$0x3FBC] =	sst s0  }
0x18: {  	s0 =	sld [smem:$0x3F9F];
	_ =	swait.ge [sflag:s4], $0x0  }
0x19: {  	s7 =	sld [smem:$0x3FA0]  }
0x1a: {  	s8 =	sadd.s32 $0xFFFFE003, lr  }
0x1b: {  	s9 =	sadd.s32 $0xFFFFFEF7, lr;
	s5 =	simm.s32 $0xFFFFFFFF;
	p2 =	slt.u32 s8, $0xFFFFF086  }
0x1c: {  	p1 =	slt.u32 s9, $0xF7A;
	s5 =	simm.s32 @!p2 $0x0  }
0x1d: {  	s5 =	simm.s32 @p1 $0x1;
	p0 =	seq.s32 s7, s2  }
0x1e: {  	s7 =	smul.u32 @!p0 $0xF7A, s2;
	p2 =	seq.s32 @!p0 s5, $0x0  }
0x1f: {  	s9 =	smul.u32 $0xF7A, s1;
	s8 =	simm.s32 @!p0 $0x1BF5;
	p2 =	por !p2, p0  }
0x20: {  	[sflag:s8] =	ssyncset.s32 @!p0 $0xFFFFF086;
	s6 =	sadd.s32 @!p0 s3, s7;
	s7 =	simm.s32 @!p0 $0x108  }
0x21: {  	s3 =	sadd.s32 s3, s9;
	s6 =	sadd.s32 @!p0 $0x88, s6;
	s7 =	simm.s32 @p2 $0x1082  }
0x22: {  	[simem:s7], [sflag:s8] =	dma.local @!p0 [hbm:s6], $0xF7A  }
0x23: {  	s9 =	sor.u32 $0xD0000000, s2;
	s6 =	simm.s32 $0x108;
	_ =	swait.ge @!p0 [sflag:s8], $0x0  }
0x24: {  	s3 =	sadd.s32 $0x88, s3;
	s6 =	simm.s32 @!p1 $0x1082;
	[sflag:s4] =	ssyncset.s32 $0xFFFFF086  }
0x25: {  	[simem:s6], [sflag:s4] =	dma.local [hbm:s3], $0xF7A  }
0x26: {  	[smem:$0x3FA0] =	sst s1;
	(tag) =	ssettag s2;
	_ =	strace s9  }
0x27: {  	s1 =	sld [smem:$0x3FB0]  }
0x28: {  	s2 =	sld [smem:$0x3FB1]  }
0x29: {  	s4 =	sld [smem:$0x3FB3]  }
0x2a: {  	p0 =	seq.s32 s5, $0x0;
	s5 =	sld [smem:$0x3FB4]  }
0x2b: {  	s6 =	sld [smem:$0x3FB5]  }
0x2c: {  	s7 =	sld [smem:$0x3FB6]  }
0x2d: {  	s3 =	simm.s32 $0x108;
	s8 =	sld [smem:$0x3FB7]  }
0x2e: {  	s3 =	simm.s32 @!p0 $0x1082;
	s9 =	sld [smem:$0x3FB8]  }
0x2f: {  	lr =	sadd.s32 s0, s3;
	s0 =	sld [smem:$0x3FAF]  }
0x30: {  	s3 =	sld [smem:$0x3FB2]  }
0x31: {  	[smem:$0x3FBB] =	sst s10  }
0x32: {  	s10 =	sld [smem:$0x3FB9];
	_ =	sdelay $0x3  }
0x33: {  	p0 =	seq.s32 s10, $0x1;
	s10 =	sld [smem:$0x3FBB];
	_ =	sdelay $0x3  }
0x34: {  	[smem:$0x3FBB] =	sst s10  }
0x35: {  	s10 =	sld [smem:$0x3FBA];
	_ =	sdelay $0x3  }
0x36: {  	p1 =	seq.s32 s10, $0x1;
	s10 =	sld [smem:$0x3FBB];
	_ =	sdelay $0x3  }
0x37: {  	[smem:$0x3FBB] =	sst s10  }
0x38: {  	s10 =	sld [smem:$0x3FBC]  }
0x39: {  	_ = 	snop;
	(pc) =	sbr.ind lr, $3  }
0x3a: {  	_ = 	snop  }
0x3b: {  	_ = 	snop  }
0x3c: {  	p2 =	seq.s32 s10, $0x1;
	s10 =	sld [smem:$0x3FBB]  }
0x3d: {  	_ =	shalt  }
0x3e: {  	_ =	shalt  }
0x3f: {  	_ =	shalt  }
0x40: {  	_ =	shalt  }
0x41: {  	_ =	shalt  }
0x42: {  	_ =	shalt  }
0x43: {  	_ =	shalt  }
0x44: {  	_ =	shalt  }
0x45: {  	_ =	shalt  }
0x46: {  	_ =	shalt  }
0x47: {  	_ =	shalt  }
0x48: {  	_ =	shalt  }
0x49: {  	_ =	shalt  }
0x4a: {  	_ =	shalt  }
0x4b: {  	_ =	shalt  }
0x4c: {  	_ =	shalt  }
0x4d: {  	_ =	shalt  }
0x4e: {  	_ =	shalt  }
0x4f: {  	_ =	shalt  }
0x50: {  	_ =	shalt  }
0x51: {  	_ =	shalt  }
0x52: {  	_ =	shalt  }
0x53: {  	_ =	shalt  }
0x54: {  	_ =	shalt  }
0x55: {  	_ =	shalt  }
0x56: {  	_ =	shalt  }
0x57: {  	_ =	shalt  }
0x58: {  	_ =	shalt  }
0x59: {  	_ =	shalt  }
0x5a: {  	_ =	shalt  }
0x5b: {  	_ =	shalt  }
0x5c: {  	_ =	shalt  }
0x5d: {  	_ =	shalt  }
0x5e: {  	_ =	shalt  }
0x5f: {  	_ =	shalt  }
0x60: {  	_ =	shalt  }
0x61: {  	_ =	shalt  }
0x62: {  	_ =	shalt  }
0x63: {  	_ =	shalt  }
0x64: {  	_ =	shalt  }
0x65: {  	_ =	shalt  }
0x66: {  	_ =	shalt  }
0x67: {  	_ =	shalt  }
0x68: {  	_ =	shalt  }
0x69: {  	_ =	shalt  }
0x6a: {  	_ =	shalt  }
0x6b: {  	_ =	shalt  }
0x6c: {  	_ =	shalt  }
0x6d: {  	_ =	shalt  }
0x6e: {  	_ =	shalt  }
0x6f: {  	_ =	shalt  }
0x70: {  	_ =	shalt  }
0x71: {  	_ =	shalt  }
0x72: {  	_ =	shalt  }
0x73: {  	_ =	shalt  }
0x74: {  	_ =	shalt  }
0x75: {  	_ =	shalt  }
0x76: {  	_ =	shalt  }
0x77: {  	_ =	shalt  }
0x78: {  	_ =	shalt  }
0x79: {  	_ =	shalt  }
0x7a: {  	_ =	shalt  }
0x7b: {  	_ =	shalt  }
0x7c: {  	_ =	shalt  }
0x7d: {  	_ =	shalt  }
0x7e: {  	_ =	shalt  }
0x7f: {  	_ =	shalt  }
0x80: {  	_ =	shalt  }
0x81: {  	_ =	shalt  }
0x82: {  	_ =	shalt  }
0x83: {  	_ =	shalt  }
0x84: {  	_ =	shalt  }
0x85: {  	_ =	shalt  }
0x86: {  	_ =	shalt  }
0x87: {  	_ =	shalt  }
.Lfunc_end0:
.L_simem_size_0:
called_computation_lowered:
.L_overlay_start_0:
0x88: {  	s2 =	sld [smem:$0x3FD9]  }
0x89: {  	s3 =	sld [smem:$0x3FFE];
	_ =	sdelay $0x1  }
0x8a: {  	s1 =	srdreg.scid  }
0x8b: {  	s0 =	sand.u32 $0x1, s1  }
0x8c: {  	s18 =	sshll.u32 s0, $0xA;
	s2 =	sadd.s32 s3, s2  }
0x8d: {  	s2 =	sadd.s32 s2, s18  }
0x8e: {  	[smem:$0x3FC7] =	sst s2  }
0x8f: {  	_ = 	snop  }
0x90: {  	s2 =	sld [smem:$0x3FC9]  }
0x91: {  	s19 =	sld [smem:$0x3FD0];
	(tm) =	ssettm $0x1  }
0x92: {  	s4 =	sld [smem:$0x3FFB];
	_ =	sdelay $0x3  }
0x93: {  	_ =	strace s4  }
0x94: {  	s4 =	sld [smem:$0x3FFC];
	_ =	sdelay $0x3  }
0x95: {  	_ =	strace s4  }
0x96: {  	s4 =	sld [smem:$0x3FFD];
	_ =	sdelay $0x3  }
0x97: {  	_ =	strace s4  }
0x98: {  	_ =	strace $0x8FFFFFFF  }
0x99: {  	s20 =	sld [smem:$0x3FDB];
	_ =	sdelay $0x1  }
0x9a: {  	s5 =	simm.s32 $_scs_section_size  }
0x9b: {  	s6 =	simm.s32 $_size__tile_overlayer_lowered;
	s7 =	simm.s32 $_tile_overlayer_lowered  }
0x9c: {  	s23 =	simm.s32 $0x1BFF;
	s22 =	sshll.u32 s7, $0x1;
	s4 =	sadd.s32 s5, s20  }
0x9d: {  	s8 =	simm.s32 $0x0;
	s21 =	sshll.u32 s6, $0x1;
	s6 =	sadd.s32 s22, s4  }
0x9e: {  	[timem:s8], [sflag:s23] =	dma.local [hbm:s6], s21  }
0x9f: {  	_ =	swait.ge [sflag:s23], s21  }
0xa0: {  	s5 =	ssub.s32 $0x0, s21;
	[sflag:s23] =	ssyncset.done $0x0  }
0xa1: {  	[sflag:s23] =	ssyncadd.s32 s5;
	_ =	sdelay $0x1  }
0xa2: {  	s24 =	simm.s32 $0x1B8B  }
0xa3: {  	_ =	swait.ge [sflag:s24], $0x1  }
0xa4: {  	[sflag:s24] =	ssyncset.done $0x0  }
0xa5: {  	s25 =	simm.s32 $0x1B8E;
	[sflag:s24] =	ssyncadd.s32 $0xFFFFFFFF  }
0xa6: {  	s26 =	simm.s32 $execute0_lowered;
	[smem:$0x3FD2] =	sst s25  }
0xa7: {  	s5 =	sshll.u32 s26, $0x1;
	_ =	strace $0x80000046;
	[dreg:$0x1] =	wrdreg $0xFFFFFFFF  }
0xa8: {  	s28 =	simm.s32 $_size_execute0_lowered;
	s4 =	sadd.s32 s4, s5;
	[dreg:$0x0] =	wrdreg $0x0  }
0xa9: {  	s5 =	sshll.u32 s28, $0x1;
	[dreg:$0x2] =	wrdreg s4  }
0xaa: {  	[dreg:$0x3] =	wrdreg s5  }
0xab: {  	[dreg:$0x4] =	wrdreg $0xC0  }
0xac: {  	_ =	task [dreg:s8], $0x5FFFF  }
0xad: {  	[dreg:$0x1] =	wrdreg $0xFFFFFFFF  }
0xae: {  	[dreg:$0x0] =	wrdreg $0x60  }
0xaf: {  	[dreg:$0x2] =	wrdreg s2  }
0xb0: {  	[dreg:$0x3] =	wrdreg s19  }
0xb1: {  	[dreg:$0x4] =	wrdreg $0x50000  }
0xb2: {  	[dreg:$0x5] =	wrdreg $0x9  }
0xb3: {  	_ =	task.clear_ibuf [dreg:s8], $0x6FFFF;
	_ =	strace $0x90000046  }
0xb4: {  	s29 =	simm.s32 $0x9;
	_ =	strace $0x80000048  }
0xb5: {  	_ =	swait.ge [sflag:s29], $0x1  }
0xb6: {  	[sflag:s29] =	ssyncadd.s32 $0xFFFFFFFF  }
0xb7: {  	_ =	strace $0x90000048  }
0xb8: {  	_ =	sfence  }
0xb9: {  	s30 =	sld [smem:$0x0];
	_ =	sdelay $0x2  }
0xba: {  	s31 =	sshll.u32 s1, $0xD;
	s1 =	sshrl.u32 s1, $0x2  }
0xbb: {  	s3 =	sand.u32 $0x4000, s31;
	s1 =	sadd.s32 s1, s30  }
0xbc: {  	s0 =	sor.u32 s3, s0;
	s1 =	sshll.u32 s1, $0x11  }
0xbd: {  	s0 =	sor.u32 s1, s0  }
0xbe: {  	s0 =	sadd.s32 $0x8F2B, s0  }
0xbf: {  	[sflag:s0] =	ssyncadd.remote.s32 $0x1  }
0xc0: {  	_ =	sfence.sel $0xFFFF  }
0xc1: {  	[dreg:$0x0] =	wrdreg $0xFFFFFFFF;
	(pc) =	sbr.abs _section_cstart, $3  }
0xc2: {  	[dreg:$0x1] =	wrdreg $0xFFFFFFFF  }
0xc3: {  	_ =	task.clear_ibuf [dreg:s8], $0x2FFFF;
	_ =	strace $0x9FFFFFFF  }
0xc4: {  	(tm) =	ssettm $0x7FFFFFFF  }
0xc5: {  	_ =	shalt  }
tec
execute0_lowered:
.L_overlay_start_1:
0x0: {  	(tag) =	ssettag $0x1  }
0x1: {  	s0 =	srdreg.scid;
	s4 =	rddreg [dreg:$0x0]  }
0x2: {  	s7 =	rddreg [dreg:$0x1];
	s3 =	sand.u32 $0x1, s0  }
0x3: {  	s6 =	stileid.u32;
	s1 =	rddreg [dreg:$0x2];
	s5 =	sshll.u32 s3, $0x4  }
0x4: {  	s2 =	simm.s32 $0x0;
	s0 =	rddreg [dreg:$0x3];
	s30 =	sor.u32 s6, s5  }
0x5: {  	[smem:$0x7FF] =	sst s2;
	s8 =	smul.u32 $0x2800, s30  }
0x6: {  	p0 =	sne.s32 s6, $0x0;
	s3 =	ssub.s32 $0x2, s3;
	_ =	strace $0x80000047  }
0x7: {  	s10 =	sshrl.u32 @!p0 s1, $0x3;
	s9 =	sshrl.u32 s3, $0x1;
	s8 =	sshrl.u32 s8, $0x3  }
0x8: {  	s6 =	simm.s32 $0x2880;
	s9 =	ssub.s32 s3, s9;
	s31 =	sadd.s32 s4, s8  }
0x9: {  	s4 =	sadd.s32 s7, s5;
	s5 =	smax.u32 s9, $0x1;
	s7 =	simm.s32 $0x1  }
0xa: {  	v0 =	vimm.f32 $1.000000000e+00;
	v1 =	vimm.f32 $0.0e+00;
	s8 =	simm.s32 $0x7D;
	s9 =	simm.s32 $0x2800;
	s3 =	sadd.s32 $0xA000, s31  }
.LBB2_1:
0xb: {  	[tilespmem:$0x2800] =	vst v0  }
0xc: {  	[tilespmem:$0x2810] =	vst v0  }
0xd: {  	[tilespmem:$0x2820] =	vst v0  }
.Ltmp0:
0xe: {  	[tilespmem:$0x2830] =	vst v0;
	(pc) =	sbr.rel @p0 .LBB2_5-.Ltmp0, $4  }
0xf: {  	[tilespmem:$0x2840] =	vst v0  }
0x10: {  	[tilespmem:$0x2850] =	vst v0  }
0x11: {  	[tilespmem:$0x2860] =	vst v0  }
0x12: {  	[tilespmem:$0x2870] =	vst v0  }
0x13: {  	s11 =	simm.s32 $0x40;
	s12 =	simm.s32 $0x0  }
.LBB2_3:
0x14: {  	p1 =	sne.s32 s11, $0x9C00;
	[tilespmem:s12+$0x2880] =	vst v1;
	s12 =	smov.u32 s11;
	s11 =	sadd.s32 $0x40, s11  }
.Ltmp1:
0x15: {  	(pc) =	sbr.rel @p1 .LBB2_3-.Ltmp1, $2  }
0x16: {  	_ =	sdelay $0x2  }
0x17: {  	s12 =	sshra.s32 s12, $0x2  }
0x18: {  	[tilespmem:s12+$0x2880] =	vst v1  }
0x19: {  	[spmem:s1] =	stream.linear.scatter [tilespmem:s6], [sflag:$0x1], $0x2780, $0x38;
	[tilespmem:$0x5278] =	vst v63  }
0x1a: {  	_ =	swait.ge [sflag:s7], $0x2780  }
0x1b: {  	[sflag:s7] =	ssyncset.done $0x0  }
0x1c: {  	[sflag:s7] =	ssyncadd.s32 $0xFFFFD880  }
.LBB2_5:
0x1d: {  	[bflag:$0x0] =	sbarrier.arrive $0xFFFF;
	s11 =	simm.s32 $0x0  }
0x1e: {  	[tilespmem:s11], [sflag:$0x1] =	stream.linear.gather [hbm4b:s3+s11], $0x2800, $0x38;
	[tilespmem:$0x5278] =	vst v63  }
0x1f: {  	_ =	swait.ge [sflag:s7], $0x2800  }
0x20: {  	[sflag:s7] =	ssyncset.done $0x0  }
0x21: {  	s31 =	simm.s32 $0x0;
	[sflag:s7] =	ssyncadd.s32 $0xFFFFD800  }
0x22: {  	[spmem:s1] =	stream.indirect.scatter.add.f32 [tilespmem:s9], [sflag:$0x1], $0x1, s31, s8, $0xb8;
	[tilespmem:$0x5278] =	vst v63  }
0x23: {  	_ =	swait.ge [sflag:s7], $0x7D  }
0x24: {  	s11 =	simm.s32 $0x200;
	[sflag:s7] =	ssyncset.done $0x0  }
.LBB2_6:
0x25: {  	s12 =	sshra.s32 s11, $0x2;
	[sflag:s7] =	ssyncadd.s32 $0xFFFFFF83;
	p1 =	sne.s32 s11, $0x9E00  }
0x26: {  	[spmem:s1] =	stream.indirect.scatter.add.f32 [tilespmem:s9], [sflag:$0x1], $0x1, s12, s8, $0xb8;
	[tilespmem:$0x5278] =	vst v63  }
.Ltmp2:
0x27: {  	_ = 	snop;
	(pc) =	sbr.rel @p1 .LBB2_6-.Ltmp2, $4  }
0x28: {  	_ = 	snop  }
0x29: {  	s11 =	sadd.s32 $0x200, s11  }
0x2a: {  	_ =	swait.ge [sflag:s7], $0x7D  }
0x2b: {  	[sflag:s7] =	ssyncset.done $0x0  }
0x2c: {  	[sflag:s7] =	ssyncadd.s32 $0xFFFFFF83;
	s11 =	simm.s32 @!p0 $0x1;
	s2 =	sadd.s32 $0x1, s2  }
0x2d: {  	s12 =	simm.s32 @!p0 $0x20;
	s13 =	simm.s32 @!p0 $0x10;
	p1 =	sne.s32 s2, s5  }
.Ltmp3:
0x2e: {  	s14 =	simm.s32 @!p0 $0x1C01;
	[bflag:$0x0] =	sbarrier.arrive $0xFFFF;
	(pc) =	sbr.rel @p1 .LBB2_1-.Ltmp3, $4  }
0x2f: {  	[hbm:s4@s12], [sflag:s14] =	dma.strided @!p0 [spmem:s10@s13], $0x4F0, s11, $0x10   }
0x30: {  	_ =	swait.ge @!p0 [sflag:s11], $0x4F0  }
0x31: {  	[sflag:s11] =	ssyncset.done @!p0 $0x0  }
0x32: {  	[sflag:s11] =	ssyncadd.s32 @!p0 $0xFFFFFB10  }
0x33: {  	_ =	sfence.sel $0x180000  }
0x34: {  	[bflag:$0x0] =	sbarrier.arrive $0xFFFF  }
0x35: {  	_ =	strace $0x90000047  }
0x36: {  	s0 =	sadd.s32 @!p0 $0x100000, s0;
	[bflag:$0x2] =	sbarrier.arrive $0xFFFF  }
0x37: {  	[sflag:s0] =	ssyncadd.tile.s32 @!p0 $0x1;
	_ =	shalt  }
.Lfunc_end2:
_tile_overlayer_lowered:
.L_overlay_start_2:
0x38: {  	(tag) =	ssettag $0x2  }
0x39: {  	s0 =	rddreg [dreg:$0x0];
	s2 =	stileid.u32  }
0x3a: {  	s1 =	rddreg [dreg:$0x1];
	p0 =	sne.s32 s2, $0x0  }
0x3b: {  	s3 =	rddreg [dreg:$0x2];
	[bflag:$0x3] =	sbarrier.arrive $0xFFFF;
	s2 =	simm.s32 @!p0 $0x1C01  }
0x3c: {  	[timem:s3], [sflag:s2] =	dma.local @!p0 [hbm:s0], s1  }
0x3d: {  	s0 =	simm.s32 @!p0 $0x1  }
0x3e: {  	_ =	swait.ge @!p0 [sflag:s0], s1  }
0x3f: {  	s1 =	ssub.s32 @!p0 $0x0, s1;
	[sflag:s0] =	ssyncset.done @!p0 $0x0  }
0x40: {  	[sflag:s0] =	ssyncadd.s32 @!p0 s1  }
0x41: {  	[bflag:$0x3] =	sbarrier.arrive $0xFFFF  }
0x42: {  	_ =	shalt  }

</sc_bundles>
